<compile_context>
chip_gen: v7x
topology: tpu7x:2x2x1
jax: 0.10.2.dev20260603
libtpu: 0.0.44.dev20260713+nightly
codegen_flags: <defaults>
</compile_context>

<pallas_src>
import functools

import jax
import jax.numpy as jnp
from jax import lax
from jax.experimental import pallas as pl
from jax.experimental.pallas import tpu as pltpu
from jax.experimental.pallas import tpu_sc as plsc

N = 10000
E = 320000
NC = 2
NS = 16
SLAB = 624
SLAB_LAST = N - SLAB * (NS - 1)
CH = 128

_MESH = dict(core_axis_name="c", subcore_axis_name="s", num_cores=NC,
             num_subcores=NS)


def _slab_copy(s, mk_src, mk_dst):
    @pl.when(s < NS - 1)
    def _():
        pltpu.sync_copy(mk_src(s * SLAB, SLAB), mk_dst(s * SLAB, SLAB))

    @pl.when(s == NS - 1)
    def _():
        pltpu.sync_copy(mk_src(SLAB * (NS - 1), SLAB_LAST),
                        mk_dst(SLAB * (NS - 1), SLAB_LAST))


def _deg_body(dst_hbm, zeros_hbm, ones_hbm, degp_hbm, ones_v, idx0_v, idx1_v,
              tidx_v, acc, sem0, sem1, tsem):
    c = lax.axis_index("c")
    s = lax.axis_index("s")
    _slab_copy(s, lambda r0, n: zeros_hbm.at[pl.ds(0, n)],
               lambda r0, n: acc.at[pl.ds(r0, n)])
    pltpu.sync_copy(ones_hbm, ones_v)
    plsc.subcore_barrier()

    ebase = (c * NS + s) * (E // (NC * NS))
    n_chunks = (E // (NC * NS)) // CH
    tail = (E // (NC * NS)) - n_chunks * CH

    idx = (idx0_v, idx1_v)
    sem = (sem0, sem1)

    def fire(i, b):
        pltpu.sync_copy(dst_hbm.at[pl.ds(ebase + i * CH, CH)], idx[b])
        pltpu.async_copy(ones_v, acc.at[idx[b]], sem[b], add=True)

    def drain(b):
        pltpu.make_async_copy(ones_v, acc.at[idx[b]], sem[b]).wait()

    for b in range(2):
        fire(b, b)

    def chunk(g, carry):
        for b in range(2):
            @pl.when(g * 2 + b + 2 < n_chunks)
            def _():
                drain(b)
                fire(g * 2 + b + 2, b)
        return carry

    lax.fori_loop(0, n_chunks // 2, chunk, 0)
    drain(0)
    drain(1)
    pltpu.sync_copy(dst_hbm.at[pl.ds(ebase + n_chunks * CH, tail)], tidx_v)
    pltpu.async_copy(ones_v.at[pl.ds(0, tail)], acc.at[tidx_v], tsem,
                     add=True).wait()

    plsc.subcore_barrier()
    base = c * N
    _slab_copy(s, lambda r0, n: acc.at[pl.ds(r0, n)],
               lambda r0, n: degp_hbm.at[pl.ds(base + r0, n)])


@jax.jit
def _deg_call(dst, zeros128, ones128):
    k = pl.kernel(
        _deg_body,
        out_type=jax.ShapeDtypeStruct((NC * N, 128), jnp.float32),
        mesh=plsc.VectorSubcoreMesh(**_MESH),
        scratch_types=[
            pltpu.VMEM((CH, 128), jnp.float32),
            pltpu.VMEM((CH,), jnp.int32),
            pltpu.VMEM((CH,), jnp.int32),
            pltpu.VMEM((16,), jnp.int32),
            pltpu.VMEM_SHARED((N, 128), jnp.float32),
            pltpu.SemaphoreType.DMA,
            pltpu.SemaphoreType.DMA,
            pltpu.SemaphoreType.DMA,
        ],
    )
    return k(dst, zeros128, ones128)


NBUF = 3


def _agg_body(split_cores, h_hbm, src_hbm, dst_hbm, zrows_hbm, agg_hbm,
              *scr):
    fidx = scr[0:NBUF]
    didx = scr[NBUF:2 * NBUF]
    rows = scr[2 * NBUF:3 * NBUF]
    tfidx_v, tdidx_v, acc = scr[3 * NBUF:3 * NBUF + 3]
    gsem = scr[3 * NBUF + 3:3 * NBUF + 3 + NBUF]
    ssem = scr[3 * NBUF + 3 + NBUF:3 * NBUF + 3 + 2 * NBUF]
    tsem = scr[-1]

    c = lax.axis_index("c")
    s = lax.axis_index("s")

    if split_cores:
        e_per_tile = E // (NC * NS)
        ebase = (c * NS + s) * e_per_tile
        hoff = None
    else:
        e_per_tile = E // NS
        ebase = s * e_per_tile
        hoff = c * N
    n_chunks = e_per_tile // CH
    tail = e_per_tile - n_chunks * CH
    n_groups = n_chunks // NBUF
    leftover = n_chunks - n_groups * NBUF

    def fire_gather(i, b):
        off = ebase + i * CH
        pltpu.sync_copy(src_hbm.at[pl.ds(off, CH)], fidx[b])
        pltpu.sync_copy(dst_hbm.at[pl.ds(off, CH)], didx[b])
        if hoff is not None:
            for j in range(CH // 16):
                fidx[b][pl.ds(j * 16, 16)] = (
                    fidx[b][pl.ds(j * 16, 16)] + hoff)
        pltpu.async_copy(h_hbm.at[fidx[b]], rows[b], gsem[b])

    def wait_gather(b):
        pltpu.make_async_copy(h_hbm.at[fidx[b]], rows[b], gsem[b]).wait()

    def fire_scatter(b):
        pltpu.async_copy(rows[b], acc.at[didx[b]], ssem[b], add=True)

    def wait_scatter(b):
        pltpu.make_async_copy(rows[b], acc.at[didx[b]], ssem[b]).wait()

    for b in range(NBUF):
        fire_gather(b, b)
    _slab_copy(s, lambda r0, n: zrows_hbm.at[pl.ds(0, n)],
               lambda r0, n: acc.at[pl.ds(r0, n)])
    plsc.subcore_barrier()

    def group(g, carry):
        for b in range(NBUF):
            wait_gather(b)
            fire_scatter(b)

        @pl.when(g + 1 < n_groups)
        def _():
            for b in range(NBUF):
                wait_scatter(b)
                fire_gather((g + 1) * NBUF + b, b)

        return carry

    lax.fori_loop(0, n_groups, group, 0)
    for b in range(NBUF):
        wait_scatter(b)

    for k in range(leftover):
        i = n_groups * NBUF + k
        fire_gather(i, 0)
        wait_gather(0)
        fire_scatter(0)
        wait_scatter(0)

    toff = ebase + n_chunks * CH
    pltpu.sync_copy(src_hbm.at[pl.ds(toff, tail)], tfidx_v)
    pltpu.sync_copy(dst_hbm.at[pl.ds(toff, tail)], tdidx_v)
    if hoff is not None:
        for j in range(tail // 16):
            tfidx_v[pl.ds(j * 16, 16)] = tfidx_v[pl.ds(j * 16, 16)] + hoff
    trows = rows[0].at[pl.ds(0, tail)]
    pltpu.async_copy(h_hbm.at[tfidx_v], trows, tsem).wait()
    pltpu.sync_copy(trows, acc.at[tdidx_v], add=True)

    plsc.subcore_barrier()
    base = c * N
    _slab_copy(s, lambda r0, n: acc.at[pl.ds(r0, n)],
               lambda r0, n: agg_hbm.at[pl.ds(base + r0, n)])


def _make_agg_call(split_cores, table_rows):
    e_per_tile = E // (NC * NS) if split_cores else E // NS
    tail = e_per_tile % CH

    @jax.jit
    def call(h_flat, src, dst, zrows):
        k = pl.kernel(
            functools.partial(_agg_body, split_cores),
            out_type=jax.ShapeDtypeStruct((NC * N, 128), jnp.float32),
            mesh=plsc.VectorSubcoreMesh(**_MESH),
            scratch_types=(
                [pltpu.VMEM((CH,), jnp.int32)] * (2 * NBUF)
                + [pltpu.VMEM((CH, 128), jnp.float32)] * NBUF
                + [
                    pltpu.VMEM((tail,), jnp.int32),
                    pltpu.VMEM((tail,), jnp.int32),
                    pltpu.VMEM_SHARED((N, 128), jnp.float32),
                ]
                + [pltpu.SemaphoreType.DMA] * (2 * NBUF + 1)
            ),
        )
        return k(h_flat, src, dst, zrows)

    return call


_agg_call_l1 = _make_agg_call(False, NC * N)
_agg_call_l2 = _make_agg_call(True, N)


BLK = 400


def _dinv_block(degp_blk):
    deg = degp_blk[0, :, 0:1] + degp_blk[1, :, 0:1]
    safe = jnp.where(deg > 0, deg, 1.0)
    return jnp.where(deg > 0, lax.rsqrt(safe), 0.0)


def _tc1_body(x_ref, w1_ref, degp_ref, h1_ref):
    dinv = _dinv_block(degp_ref[...])
    h = jnp.dot(x_ref[...], w1_ref[...],
                preferred_element_type=jnp.float32) * dinv
    h1_ref[0] = h[:, :128]
    h1_ref[1] = h[:, 128:]


@jax.jit
def _tc1(x, w1p, degp3):
    return pl.pallas_call(
        _tc1_body,
        grid=(N // BLK,),
        in_specs=[
            pl.BlockSpec((BLK, 128), lambda i: (i, 0)),
            pl.BlockSpec((128, 256), lambda i: (0, 0)),
            pl.BlockSpec((2, BLK, 16), lambda i: (0, i, 0)),
        ],
        out_specs=pl.BlockSpec((2, BLK, 128), lambda i: (0, i, 0)),
        out_shape=jax.ShapeDtypeStruct((2, N, 128), jnp.float32),
    )(x, w1p, degp3)


def _tc2_body(agg_ref, b1e_ref, b1o_ref, degp_ref, w2_ref, h2_ref):
    dinv = _dinv_block(degp_ref[...])
    a0 = agg_ref[0] * dinv + b1e_ref[...]
    a1 = agg_ref[1] * dinv + b1o_ref[...]
    t = jnp.maximum(jnp.maximum(a0, 0.0), jnp.maximum(a1, 0.0))
    h2_ref[...] = jnp.dot(t, w2_ref[...],
                          preferred_element_type=jnp.float32) * dinv


@jax.jit
def _tc2(agg1, b1e, b1o, degp3, w2p):
    return pl.pallas_call(
        _tc2_body,
        grid=(N // BLK,),
        in_specs=[
            pl.BlockSpec((2, BLK, 128), lambda i: (0, i, 0)),
            pl.BlockSpec((1, 128), lambda i: (0, 0)),
            pl.BlockSpec((1, 128), lambda i: (0, 0)),
            pl.BlockSpec((2, BLK, 16), lambda i: (0, i, 0)),
            pl.BlockSpec((128, 128), lambda i: (0, 0)),
        ],
        out_specs=pl.BlockSpec((BLK, 128), lambda i: (i, 0)),
        out_shape=jax.ShapeDtypeStruct((N, 128), jnp.float32),
    )(agg1, b1e, b1o, degp3, w2p)


def _tc3_body(agg_ref, b2e_ref, b2o_ref, degp_ref, fc1w_ref, fc1b_ref,
              fc2w_ref, fc2b_ref, out_ref):
    dinv = _dinv_block(degp_ref[...])
    g = (agg_ref[0] + agg_ref[1]) * dinv
    a0 = g[:, :64] + b2e_ref[...]
    a1 = g[:, 64:] + b2o_ref[...]
    t = jnp.maximum(jnp.maximum(a0, 0.0), jnp.maximum(a1, 0.0))
    t = jnp.maximum(
        jnp.dot(t, fc1w_ref[...], preferred_element_type=jnp.float32)
        + fc1b_ref[...], 0.0)
    out_ref[...] = jnp.maximum(
        jnp.dot(t, fc2w_ref[...], preferred_element_type=jnp.float32)
        + fc2b_ref[...], 0.0)


@jax.jit
def _tc3(agg2, b2e, b2o, degp3, fc1_W, fc1_b, fc2_W, fc2_b):
    return pl.pallas_call(
        _tc3_body,
        grid=(N // BLK,),
        in_specs=[
            pl.BlockSpec((2, BLK, 128), lambda i: (0, i, 0)),
            pl.BlockSpec((1, 64), lambda i: (0, 0)),
            pl.BlockSpec((1, 64), lambda i: (0, 0)),
            pl.BlockSpec((2, BLK, 16), lambda i: (0, i, 0)),
            pl.BlockSpec((64, 64), lambda i: (0, 0)),
            pl.BlockSpec((1, 64), lambda i: (0, 0)),
            pl.BlockSpec((64, 40), lambda i: (0, 0)),
            pl.BlockSpec((1, 40), lambda i: (0, 0)),
        ],
        out_specs=pl.BlockSpec((BLK, 40), lambda i: (i, 0)),
        out_shape=jax.ShapeDtypeStruct((N, 40), jnp.float32),
    )(agg2, b2e, b2o, degp3, fc1_W, fc1_b, fc2_W, fc2_b)


def kernel(x, A, W1, b1, W2, b2, fc1_W, fc1_b, fc2_W, fc2_b):
    A = A.astype(jnp.int32)
    src = A[0]
    dst = A[1]
    W1p = jnp.concatenate([W1[:, 0::2], W1[:, 1::2]], axis=1)
    b1e = b1[0::2].reshape(1, 128)
    b1o = b1[1::2].reshape(1, 128)
    W2p = jnp.concatenate([W2[:, 0::2], W2[:, 1::2]], axis=1)
    b2e = b2[0::2].reshape(1, 64)
    b2o = b2[1::2].reshape(1, 64)

    ones128 = jnp.ones((CH, 128), jnp.float32)
    z128 = jnp.zeros((SLAB_LAST, 128), jnp.float32)

    degp3 = _deg_call(dst, z128, ones128).reshape(2, N, 128)[:, :, :16]
    h1 = _tc1(x, W1p, degp3)
    agg1 = _agg_call_l1(h1.reshape(2 * N, 128), src, dst,
                        z128).reshape(2, N, 128)
    h2 = _tc2(agg1, b1e, b1o, degp3, W2p)
    agg2 = _agg_call_l2(h2, src, dst, z128).reshape(2, N, 128)
    return _tc3(agg2, b2e, b2o, degp3, fc1_W, fc1_b.reshape(1, 64),
                fc2_W, fc2_b.reshape(1, 40))

# --- scband reference (transcript-rebuilt; emitter-appended) ---
"""Pipeline reference for scband-gcn-8564164788623 (READ-ONLY COPY).

The authoritative reference and input builder live on the scoring server;
editing this copy changes nothing except your own understanding.
"""

import jax, jax.numpy as jnp
import numpy as np

N_NODES = 10000
N_EDGES = 320000
IN_F = 128
N_NEURONS = 256
OUT_F = 40


def _gcn_conv(x, edge_index, W, b, n_nodes):
    # PyG GCNConv with add_self_loops=False: out = D^{-1/2} A D^{-1/2} (x W) + b
    src = edge_index[0]
    dst = edge_index[1]
    h = x @ W
    ones = jnp.ones((edge_index.shape[1],), dtype=x.dtype)
    deg = jax.ops.segment_sum(ones, dst, num_segments=n_nodes)
    dinv = jnp.where(deg > 0, jax.lax.rsqrt(jnp.where(deg > 0, deg, 1.0)), 0.0)
    norm = dinv[src] * dinv[dst]
    msg = h[src] * norm[:, None]
    out = jax.ops.segment_sum(msg, dst, num_segments=n_nodes)
    return out + b


def _maxpool1d_k2s2(x):
    n, d = x.shape
    return jnp.max(x.reshape(n, d // 2, 2), axis=-1)


def setup_inputs(seed: int = 0) -> dict:
    key = jax.random.key(seed)
    ks = jax.random.split(key, 10)
    x = jax.random.normal(ks[0], (N_NODES, IN_F), dtype=jnp.float32)
    A = jax.random.randint(ks[1], (2, N_EDGES), 0, N_NODES, dtype=jnp.int64)
    W1 = jax.random.normal(ks[2], (IN_F, N_NEURONS), dtype=jnp.float32) / np.sqrt(IN_F)
    b1 = jnp.zeros((N_NEURONS,), dtype=jnp.float32)
    W2 = jax.random.normal(ks[3], (N_NEURONS // 2, N_NEURONS // 2), dtype=jnp.float32) / np.sqrt(N_NEURONS // 2)
    b2 = jnp.zeros((N_NEURONS // 2,), dtype=jnp.float32)
    fc1_W = jax.random.normal(ks[4], (N_NEURONS // 4, N_NEURONS // 4), dtype=jnp.float32) / np.sqrt(N_NEURONS // 4)
    fc1_b = jnp.zeros((N_NEURONS // 4,), dtype=jnp.float32)
    fc2_W = jax.random.normal(ks[5], (N_NEURONS // 4, OUT_F), dtype=jnp.float32) / np.sqrt(N_NEURONS // 4)
    fc2_b = jnp.zeros((OUT_F,), dtype=jnp.float32)
    return {"x": x, "A": A, "W1": W1, "b1": b1, "W2": W2, "b2": b2,
            "fc1_W": fc1_W, "fc1_b": fc1_b, "fc2_W": fc2_W, "fc2_b": fc2_b}


def reference(x, A, W1, b1, W2, b2, fc1_W, fc1_b, fc2_W, fc2_b):
    h = _gcn_conv(x, A, W1, b1, N_NODES)
    h = jax.nn.relu(h)
    h = _maxpool1d_k2s2(h)
    h = _gcn_conv(h, A, W2, b2, N_NODES)
    h = jax.nn.relu(h)
    h = _maxpool1d_k2s2(h)
    h = jax.nn.relu(h @ fc1_W + fc1_b)
    h = h @ fc2_W + fc2_b
    return jax.nn.relu(h)

if __name__ == "__main__":
    import jax
    _d = setup_inputs()
    print(jax.jit(kernel)(*tuple(_d.values())))

</pallas_src>

<mosaic_0001>
#map = affine_map<(d0, d1) -> (0)>
#map1 = affine_map<(d0, d1) -> (0, 0)>
module attributes {stable_mosaic.version = 14 : i64} {
  func.func @_deg_body(%arg0: i32, %arg1: i32, %arg2: memref<320000xi32, #tpu.memory_space<hbm>>, %arg3: memref<640x128xf32, #tpu.memory_space<hbm>>, %arg4: memref<128x128xf32, #tpu.memory_space<hbm>>, %arg5: memref<20000x128xf32, #tpu.memory_space<hbm>>, %arg6: memref<128x128xf32, #tpu.memory_space<vmem>>, %arg7: memref<128xi32, #tpu.memory_space<vmem>>, %arg8: memref<128xi32, #tpu.memory_space<vmem>>, %arg9: memref<16xi32, #tpu.memory_space<vmem>>, %arg10: memref<10000x128xf32, #tpu.memory_space<vmem_shared>>, %arg11: memref<!tpu.dma_semaphore, #tpu.memory_space<semaphore_mem>>, %arg12: memref<!tpu.dma_semaphore, #tpu.memory_space<semaphore_mem>>, %arg13: memref<!tpu.dma_semaphore, #tpu.memory_space<semaphore_mem>>) attributes {dimension_semantics = [#tpu.dimension_semantics<core_parallel>, #tpu.dimension_semantics<subcore_parallel>], iteration_bounds = array<i64: 2, 16>, scalar_prefetch = 0 : i64, scratch_operands = 8 : i64, tpu.core_type = #tpu.core_type<sc_vector_subcore>, window_params = [{transform_indices = #map}, {transform_indices = #map1}, {transform_indices = #map1}, {transform_indices = #map1}]} {
    %lt3A = arith.constant 15 : i32
    %lt3A_0 = arith.cmpi slt, %arg1, %lt3A : i32
    %convert_element_type3A = arith.extui %lt3A_0 : i1 to i32
    %cond3A = arith.constant 0 : i32
    %cond3A_1 = arith.cmpi ne, %convert_element_type3A, %cond3A : i32
    scf.if %cond3A_1 {
      %mul3A_55 = arith.constant 624 : i32
      %mul3A_56 = arith.muli %arg1, %mul3A_55 : i32
      %mul3A_57 = arith.constant 624 : i32
      %mul3A_58 = arith.muli %arg1, %mul3A_57 : i32
      "tpu.region"() ({
        %run_scoped3A = tpu.sem_alloc : memref<!tpu.dma_semaphore, #tpu.memory_space<semaphore_mem>>
        %dma_start3A_59 = arith.constant 0 : i32
        %dma_start3A_60 = tpu.memref_slice %arg10[%mul3A_58, %dma_start3A_59] : memref<10000x128xf32, #tpu.memory_space<vmem_shared>> -> memref<624x128xf32, #tpu.memory_space<vmem_shared>>
        %dma_start3A_61 = arith.constant 0 : i32
        %dma_start3A_62 = arith.constant 0 : i32
        %dma_start3A_63 = tpu.memref_slice %arg3[%dma_start3A_61, %dma_start3A_62] : memref<640x128xf32, #tpu.memory_space<hbm>> -> memref<624x128xf32, #tpu.memory_space<hbm>>
        tpu.enqueue_dma source(%dma_start3A_63 : memref<624x128xf32, #tpu.memory_space<hbm>>) target(%dma_start3A_60 : memref<624x128xf32, #tpu.memory_space<vmem_shared>>) target_semaphore(%run_scoped3A : memref<!tpu.dma_semaphore, #tpu.memory_space<semaphore_mem>>)
        %dma_wait3A_64 = arith.constant 0 : i32
        %dma_wait3A_65 = tpu.memref_slice %arg10[%mul3A_58, %dma_wait3A_64] : memref<10000x128xf32, #tpu.memory_space<vmem_shared>> -> memref<624x128xf32, #tpu.memory_space<vmem_shared>>
        %dma_wait3A_66 = arith.constant 0 : i32
        %dma_wait3A_67 = arith.constant 0 : i32
        %dma_wait3A_68 = tpu.memref_slice %arg3[%dma_wait3A_66, %dma_wait3A_67] : memref<640x128xf32, #tpu.memory_space<hbm>> -> memref<624x128xf32, #tpu.memory_space<hbm>>
        tpu.wait_dma2 semaphore(%run_scoped3A : memref<!tpu.dma_semaphore, #tpu.memory_space<semaphore_mem>>) src(%dma_wait3A_68 : memref<624x128xf32, #tpu.memory_space<hbm>>) dst(%dma_wait3A_65 : memref<624x128xf32, #tpu.memory_space<vmem_shared>>)
        tpu.yield
      }) : () -> ()
    } else {
    }
    %eq3A = arith.constant 15 : i32
    %eq3A_2 = arith.cmpi eq, %arg1, %eq3A : i32
    %convert_element_type3A_3 = arith.extui %eq3A_2 : i1 to i32
    %cond3A_4 = arith.constant 0 : i32
    %cond3A_5 = arith.cmpi ne, %convert_element_type3A_3, %cond3A_4 : i32
    scf.if %cond3A_5 {
      "tpu.region"() ({
        %run_scoped3A = tpu.sem_alloc : memref<!tpu.dma_semaphore, #tpu.memory_space<semaphore_mem>>
        %dma_start3A_55 = arith.constant 9360 : i32
        %dma_start3A_56 = arith.constant 0 : i32
        %dma_start3A_57 = tpu.memref_slice %arg10[%dma_start3A_55, %dma_start3A_56] : memref<10000x128xf32, #tpu.memory_space<vmem_shared>> -> memref<640x128xf32, #tpu.memory_space<vmem_shared>>
        %dma_start3A_58 = arith.constant 0 : i32
        %dma_start3A_59 = arith.constant 0 : i32
        %dma_start3A_60 = tpu.memref_slice %arg3[%dma_start3A_58, %dma_start3A_59] : memref<640x128xf32, #tpu.memory_space<hbm>> -> memref<640x128xf32, #tpu.memory_space<hbm>>
        tpu.enqueue_dma source(%dma_start3A_60 : memref<640x128xf32, #tpu.memory_space<hbm>>) target(%dma_start3A_57 : memref<640x128xf32, #tpu.memory_space<vmem_shared>>) target_semaphore(%run_scoped3A : memref<!tpu.dma_semaphore, #tpu.memory_space<semaphore_mem>>)
        %dma_wait3A_61 = arith.constant 9360 : i32
        %dma_wait3A_62 = arith.constant 0 : i32
        %dma_wait3A_63 = tpu.memref_slice %arg10[%dma_wait3A_61, %dma_wait3A_62] : memref<10000x128xf32, #tpu.memory_space<vmem_shared>> -> memref<640x128xf32, #tpu.memory_space<vmem_shared>>
        %dma_wait3A_64 = arith.constant 0 : i32
        %dma_wait3A_65 = arith.constant 0 : i32
        %dma_wait3A_66 = tpu.memref_slice %arg3[%dma_wait3A_64, %dma_wait3A_65] : memref<640x128xf32, #tpu.memory_space<hbm>> -> memref<640x128xf32, #tpu.memory_space<hbm>>
        tpu.wait_dma2 semaphore(%run_scoped3A : memref<!tpu.dma_semaphore, #tpu.memory_space<semaphore_mem>>) src(%dma_wait3A_66 : memref<640x128xf32, #tpu.memory_space<hbm>>) dst(%dma_wait3A_63 : memref<640x128xf32, #tpu.memory_space<vmem_shared>>)
        tpu.yield
      }) : () -> ()
    } else {
    }
    "tpu.region"() ({
      %run_scoped3A = tpu.sem_alloc : memref<!tpu.dma_semaphore, #tpu.memory_space<semaphore_mem>>
      tpu.enqueue_dma source(%arg4 : memref<128x128xf32, #tpu.memory_space<hbm>>) target(%arg6 : memref<128x128xf32, #tpu.memory_space<vmem>>) target_semaphore(%run_scoped3A : memref<!tpu.dma_semaphore, #tpu.memory_space<semaphore_mem>>)
      tpu.wait_dma2 semaphore(%run_scoped3A : memref<!tpu.dma_semaphore, #tpu.memory_space<semaphore_mem>>) src(%arg4 : memref<128x128xf32, #tpu.memory_space<hbm>>) dst(%arg6 : memref<128x128xf32, #tpu.memory_space<vmem>>)
      tpu.yield
    }) : () -> ()
    %barrier3A = arith.constant 0 : index
    tpu.barrier barrier_id(%barrier3A)
    %mul3A = arith.constant 16 : i32
    %mul3A_6 = arith.muli %arg0, %mul3A : i32
    %add3A = arith.addi %mul3A_6, %arg1 : i32
    %mul3A_7 = arith.constant 10000 : i32
    %mul3A_8 = arith.muli %add3A, %mul3A_7 : i32
    %add3A_9 = arith.constant 0 : i32
    %add3A_10 = arith.addi %mul3A_8, %add3A_9 : i32
    "tpu.region"() ({
      %run_scoped3A = tpu.sem_alloc : memref<!tpu.dma_semaphore, #tpu.memory_space<semaphore_mem>>
      %dma_start3A_55 = tpu.memref_slice %arg2[%add3A_10] : memref<320000xi32, #tpu.memory_space<hbm>> -> memref<128xi32, #tpu.memory_space<hbm>>
      %dma_start3A_56 = tpu.memref_slice %arg2[%add3A_10] : memref<320000xi32, #tpu.memory_space<hbm>> -> memref<128xi32, #tpu.memory_space<hbm>>
      tpu.enqueue_dma source(%dma_start3A_56 : memref<128xi32, #tpu.memory_space<hbm>>) target(%arg7 : memref<128xi32, #tpu.memory_space<vmem>>) target_semaphore(%run_scoped3A : memref<!tpu.dma_semaphore, #tpu.memory_space<semaphore_mem>>)
      %dma_wait3A_57 = tpu.memref_slice %arg2[%add3A_10] : memref<320000xi32, #tpu.memory_space<hbm>> -> memref<128xi32, #tpu.memory_space<hbm>>
      %dma_wait3A_58 = tpu.memref_slice %arg2[%add3A_10] : memref<320000xi32, #tpu.memory_space<hbm>> -> memref<128xi32, #tpu.memory_space<hbm>>
      tpu.wait_dma2 semaphore(%run_scoped3A : memref<!tpu.dma_semaphore, #tpu.memory_space<semaphore_mem>>) src(%dma_wait3A_58 : memref<128xi32, #tpu.memory_space<hbm>>) dst(%arg7 : memref<128xi32, #tpu.memory_space<vmem>>)
      tpu.yield
    }) : () -> ()
    %dma_start3A = arith.constant 0 : i32
    %dma_start3A_11 = arith.constant 0 : i32
    %dma_start3A_12 = tpu.memref_slice %arg10[%dma_start3A, %dma_start3A_11] : memref<10000x128xf32, #tpu.memory_space<vmem_shared>> -> memref<10000x128xf32, #tpu.memory_space<vmem_shared>>
    tpu.enqueue_indirect_dma source(%arg6 : memref<128x128xf32, #tpu.memory_space<vmem>>) target(%dma_start3A_12 : memref<10000x128xf32, #tpu.memory_space<vmem_shared>>) offsets(%arg7 : memref<128xi32, #tpu.memory_space<vmem>>) semaphore(%arg11 : memref<!tpu.dma_semaphore, #tpu.memory_space<semaphore_mem>>) {add = true}
    %add3A_13 = arith.constant 128 : i32
    %add3A_14 = arith.addi %mul3A_8, %add3A_13 : i32
    "tpu.region"() ({
      %run_scoped3A = tpu.sem_alloc : memref<!tpu.dma_semaphore, #tpu.memory_space<semaphore_mem>>
      %dma_start3A_55 = tpu.memref_slice %arg2[%add3A_14] : memref<320000xi32, #tpu.memory_space<hbm>> -> memref<128xi32, #tpu.memory_space<hbm>>
      %dma_start3A_56 = tpu.memref_slice %arg2[%add3A_14] : memref<320000xi32, #tpu.memory_space<hbm>> -> memref<128xi32, #tpu.memory_space<hbm>>
      tpu.enqueue_dma source(%dma_start3A_56 : memref<128xi32, #tpu.memory_space<hbm>>) target(%arg8 : memref<128xi32, #tpu.memory_space<vmem>>) target_semaphore(%run_scoped3A : memref<!tpu.dma_semaphore, #tpu.memory_space<semaphore_mem>>)
      %dma_wait3A_57 = tpu.memref_slice %arg2[%add3A_14] : memref<320000xi32, #tpu.memory_space<hbm>> -> memref<128xi32, #tpu.memory_space<hbm>>
      %dma_wait3A_58 = tpu.memref_slice %arg2[%add3A_14] : memref<320000xi32, #tpu.memory_space<hbm>> -> memref<128xi32, #tpu.memory_space<hbm>>
      tpu.wait_dma2 semaphore(%run_scoped3A : memref<!tpu.dma_semaphore, #tpu.memory_space<semaphore_mem>>) src(%dma_wait3A_58 : memref<128xi32, #tpu.memory_space<hbm>>) dst(%arg8 : memref<128xi32, #tpu.memory_space<vmem>>)
      tpu.yield
    }) : () -> ()
    %dma_start3A_15 = arith.constant 0 : i32
    %dma_start3A_16 = arith.constant 0 : i32
    %dma_start3A_17 = tpu.memref_slice %arg10[%dma_start3A_15, %dma_start3A_16] : memref<10000x128xf32, #tpu.memory_space<vmem_shared>> -> memref<10000x128xf32, #tpu.memory_space<vmem_shared>>
    tpu.enqueue_indirect_dma source(%arg6 : memref<128x128xf32, #tpu.memory_space<vmem>>) target(%dma_start3A_17 : memref<10000x128xf32, #tpu.memory_space<vmem_shared>>) offsets(%arg8 : memref<128xi32, #tpu.memory_space<vmem>>) semaphore(%arg12 : memref<!tpu.dma_semaphore, #tpu.memory_space<semaphore_mem>>) {add = true}
    %scan3A = arith.constant 0 : i32
    %scan3A_18 = arith.constant 0 : i32
    %scan3A_19 = arith.constant 39 : i32
    %scan3A_20 = arith.addi %scan3A_18, %scan3A_19 : i32
    %scan3A_21 = arith.constant 1 : i32
    scf.for %scan3A_55 = %scan3A_18 to %scan3A_20 step %scan3A_21  : i32 {
      %mul3A_56 = arith.constant 2 : i32
      %mul3A_57 = arith.muli %scan3A_55, %mul3A_56 : i32
      %add3A_58 = arith.constant 0 : i32
      %add3A_59 = arith.addi %mul3A_57, %add3A_58 : i32
      %add3A_60 = arith.constant 2 : i32
      %add3A_61 = arith.addi %add3A_59, %add3A_60 : i32
      %lt3A_62 = arith.constant 78 : i32
      %lt3A_63 = arith.cmpi slt, %add3A_61, %lt3A_62 : i32
      %convert_element_type3A_64 = arith.extui %lt3A_63 : i1 to i32
      %cond3A_65 = arith.constant 0 : i32
      %cond3A_66 = arith.cmpi ne, %convert_element_type3A_64, %cond3A_65 : i32
      scf.if %cond3A_66 {
        %dma_wait3A_78 = arith.constant 0 : i32
        %dma_wait3A_79 = arith.constant 0 : i32
        %dma_wait3A_80 = tpu.memref_slice %arg10[%dma_wait3A_78, %dma_wait3A_79] : memref<10000x128xf32, #tpu.memory_space<vmem_shared>> -> memref<10000x128xf32, #tpu.memory_space<vmem_shared>>
        tpu.wait_indirect_dma semaphore(%arg11 : memref<!tpu.dma_semaphore, #tpu.memory_space<semaphore_mem>>) src(%arg6 : memref<128x128xf32, #tpu.memory_space<vmem>>) dst(%dma_wait3A_80 : memref<10000x128xf32, #tpu.memory_space<vmem_shared>>)
        %mul3A_81 = arith.constant 2 : i32
        %mul3A_82 = arith.muli %scan3A_55, %mul3A_81 : i32
        %add3A_83 = arith.constant 0 : i32
        %add3A_84 = arith.addi %mul3A_82, %add3A_83 : i32
        %add3A_85 = arith.constant 2 : i32
        %add3A_86 = arith.addi %add3A_84, %add3A_85 : i32
        %mul3A_87 = arith.constant 128 : i32
        %mul3A_88 = arith.muli %add3A_86, %mul3A_87 : i32
        %add3A_89 = arith.addi %mul3A_8, %mul3A_88 : i32
        "tpu.region"() ({
          %run_scoped3A = tpu.sem_alloc : memref<!tpu.dma_semaphore, #tpu.memory_space<semaphore_mem>>
          %dma_start3A_93 = tpu.memref_slice %arg2[%add3A_89] : memref<320000xi32, #tpu.memory_space<hbm>> -> memref<128xi32, #tpu.memory_space<hbm>>
          %dma_start3A_94 = tpu.memref_slice %arg2[%add3A_89] : memref<320000xi32, #tpu.memory_space<hbm>> -> memref<128xi32, #tpu.memory_space<hbm>>
          tpu.enqueue_dma source(%dma_start3A_94 : memref<128xi32, #tpu.memory_space<hbm>>) target(%arg7 : memref<128xi32, #tpu.memory_space<vmem>>) target_semaphore(%run_scoped3A : memref<!tpu.dma_semaphore, #tpu.memory_space<semaphore_mem>>)
          %dma_wait3A_95 = tpu.memref_slice %arg2[%add3A_89] : memref<320000xi32, #tpu.memory_space<hbm>> -> memref<128xi32, #tpu.memory_space<hbm>>
          %dma_wait3A_96 = tpu.memref_slice %arg2[%add3A_89] : memref<320000xi32, #tpu.memory_space<hbm>> -> memref<128xi32, #tpu.memory_space<hbm>>
          tpu.wait_dma2 semaphore(%run_scoped3A : memref<!tpu.dma_semaphore, #tpu.memory_space<semaphore_mem>>) src(%dma_wait3A_96 : memref<128xi32, #tpu.memory_space<hbm>>) dst(%arg7 : memref<128xi32, #tpu.memory_space<vmem>>)
          tpu.yield
        }) : () -> ()
        %dma_start3A_90 = arith.constant 0 : i32
        %dma_start3A_91 = arith.constant 0 : i32
        %dma_start3A_92 = tpu.memref_slice %arg10[%dma_start3A_90, %dma_start3A_91] : memref<10000x128xf32, #tpu.memory_space<vmem_shared>> -> memref<10000x128xf32, #tpu.memory_space<vmem_shared>>
        tpu.enqueue_indirect_dma source(%arg6 : memref<128x128xf32, #tpu.memory_space<vmem>>) target(%dma_start3A_92 : memref<10000x128xf32, #tpu.memory_space<vmem_shared>>) offsets(%arg7 : memref<128xi32, #tpu.memory_space<vmem>>) semaphore(%arg11 : memref<!tpu.dma_semaphore, #tpu.memory_space<semaphore_mem>>) {add = true}
      } else {
      }
      %mul3A_67 = arith.constant 2 : i32
      %mul3A_68 = arith.muli %scan3A_55, %mul3A_67 : i32
      %add3A_69 = arith.constant 1 : i32
      %add3A_70 = arith.addi %mul3A_68, %add3A_69 : i32
      %add3A_71 = arith.constant 2 : i32
      %add3A_72 = arith.addi %add3A_70, %add3A_71 : i32
      %lt3A_73 = arith.constant 78 : i32
      %lt3A_74 = arith.cmpi slt, %add3A_72, %lt3A_73 : i32
      %convert_element_type3A_75 = arith.extui %lt3A_74 : i1 to i32
      %cond3A_76 = arith.constant 0 : i32
      %cond3A_77 = arith.cmpi ne, %convert_element_type3A_75, %cond3A_76 : i32
      scf.if %cond3A_77 {
        %dma_wait3A_78 = arith.constant 0 : i32
        %dma_wait3A_79 = arith.constant 0 : i32
        %dma_wait3A_80 = tpu.memref_slice %arg10[%dma_wait3A_78, %dma_wait3A_79] : memref<10000x128xf32, #tpu.memory_space<vmem_shared>> -> memref<10000x128xf32, #tpu.memory_space<vmem_shared>>
        tpu.wait_indirect_dma semaphore(%arg12 : memref<!tpu.dma_semaphore, #tpu.memory_space<semaphore_mem>>) src(%arg6 : memref<128x128xf32, #tpu.memory_space<vmem>>) dst(%dma_wait3A_80 : memref<10000x128xf32, #tpu.memory_space<vmem_shared>>)
        %mul3A_81 = arith.constant 2 : i32
        %mul3A_82 = arith.muli %scan3A_55, %mul3A_81 : i32
        %add3A_83 = arith.constant 1 : i32
        %add3A_84 = arith.addi %mul3A_82, %add3A_83 : i32
        %add3A_85 = arith.constant 2 : i32
        %add3A_86 = arith.addi %add3A_84, %add3A_85 : i32
        %mul3A_87 = arith.constant 128 : i32
        %mul3A_88 = arith.muli %add3A_86, %mul3A_87 : i32
        %add3A_89 = arith.addi %mul3A_8, %mul3A_88 : i32
        "tpu.region"() ({
          %run_scoped3A = tpu.sem_alloc : memref<!tpu.dma_semaphore, #tpu.memory_space<semaphore_mem>>
          %dma_start3A_93 = tpu.memref_slice %arg2[%add3A_89] : memref<320000xi32, #tpu.memory_space<hbm>> -> memref<128xi32, #tpu.memory_space<hbm>>
          %dma_start3A_94 = tpu.memref_slice %arg2[%add3A_89] : memref<320000xi32, #tpu.memory_space<hbm>> -> memref<128xi32, #tpu.memory_space<hbm>>
          tpu.enqueue_dma source(%dma_start3A_94 : memref<128xi32, #tpu.memory_space<hbm>>) target(%arg8 : memref<128xi32, #tpu.memory_space<vmem>>) target_semaphore(%run_scoped3A : memref<!tpu.dma_semaphore, #tpu.memory_space<semaphore_mem>>)
          %dma_wait3A_95 = tpu.memref_slice %arg2[%add3A_89] : memref<320000xi32, #tpu.memory_space<hbm>> -> memref<128xi32, #tpu.memory_space<hbm>>
          %dma_wait3A_96 = tpu.memref_slice %arg2[%add3A_89] : memref<320000xi32, #tpu.memory_space<hbm>> -> memref<128xi32, #tpu.memory_space<hbm>>
          tpu.wait_dma2 semaphore(%run_scoped3A : memref<!tpu.dma_semaphore, #tpu.memory_space<semaphore_mem>>) src(%dma_wait3A_96 : memref<128xi32, #tpu.memory_space<hbm>>) dst(%arg8 : memref<128xi32, #tpu.memory_space<vmem>>)
          tpu.yield
        }) : () -> ()
        %dma_start3A_90 = arith.constant 0 : i32
        %dma_start3A_91 = arith.constant 0 : i32
        %dma_start3A_92 = tpu.memref_slice %arg10[%dma_start3A_90, %dma_start3A_91] : memref<10000x128xf32, #tpu.memory_space<vmem_shared>> -> memref<10000x128xf32, #tpu.memory_space<vmem_shared>>
        tpu.enqueue_indirect_dma source(%arg6 : memref<128x128xf32, #tpu.memory_space<vmem>>) target(%dma_start3A_92 : memref<10000x128xf32, #tpu.memory_space<vmem_shared>>) offsets(%arg8 : memref<128xi32, #tpu.memory_space<vmem>>) semaphore(%arg12 : memref<!tpu.dma_semaphore, #tpu.memory_space<semaphore_mem>>) {add = true}
      } else {
      }
    }
    %scan3A_22 = arith.constant 39 : i32
    %dma_wait3A = arith.constant 0 : i32
    %dma_wait3A_23 = arith.constant 0 : i32
    %dma_wait3A_24 = tpu.memref_slice %arg10[%dma_wait3A, %dma_wait3A_23] : memref<10000x128xf32, #tpu.memory_space<vmem_shared>> -> memref<10000x128xf32, #tpu.memory_space<vmem_shared>>
    tpu.wait_indirect_dma semaphore(%arg11 : memref<!tpu.dma_semaphore, #tpu.memory_space<semaphore_mem>>) src(%arg6 : memref<128x128xf32, #tpu.memory_space<vmem>>) dst(%dma_wait3A_24 : memref<10000x128xf32, #tpu.memory_space<vmem_shared>>)
    %dma_wait3A_25 = arith.constant 0 : i32
    %dma_wait3A_26 = arith.constant 0 : i32
    %dma_wait3A_27 = tpu.memref_slice %arg10[%dma_wait3A_25, %dma_wait3A_26] : memref<10000x128xf32, #tpu.memory_space<vmem_shared>> -> memref<10000x128xf32, #tpu.memory_space<vmem_shared>>
    tpu.wait_indirect_dma semaphore(%arg12 : memref<!tpu.dma_semaphore, #tpu.memory_space<semaphore_mem>>) src(%arg6 : memref<128x128xf32, #tpu.memory_space<vmem>>) dst(%dma_wait3A_27 : memref<10000x128xf32, #tpu.memory_space<vmem_shared>>)
    %add3A_28 = arith.constant 9984 : i32
    %add3A_29 = arith.addi %mul3A_8, %add3A_28 : i32
    "tpu.region"() ({
      %run_scoped3A = tpu.sem_alloc : memref<!tpu.dma_semaphore, #tpu.memory_space<semaphore_mem>>
      %dma_start3A_55 = tpu.memref_slice %arg2[%add3A_29] : memref<320000xi32, #tpu.memory_space<hbm>> -> memref<16xi32, #tpu.memory_space<hbm>>
      %dma_start3A_56 = tpu.memref_slice %arg2[%add3A_29] : memref<320000xi32, #tpu.memory_space<hbm>> -> memref<16xi32, #tpu.memory_space<hbm>>
      tpu.enqueue_dma source(%dma_start3A_56 : memref<16xi32, #tpu.memory_space<hbm>>) target(%arg9 : memref<16xi32, #tpu.memory_space<vmem>>) target_semaphore(%run_scoped3A : memref<!tpu.dma_semaphore, #tpu.memory_space<semaphore_mem>>)
      %dma_wait3A_57 = tpu.memref_slice %arg2[%add3A_29] : memref<320000xi32, #tpu.memory_space<hbm>> -> memref<16xi32, #tpu.memory_space<hbm>>
      %dma_wait3A_58 = tpu.memref_slice %arg2[%add3A_29] : memref<320000xi32, #tpu.memory_space<hbm>> -> memref<16xi32, #tpu.memory_space<hbm>>
      tpu.wait_dma2 semaphore(%run_scoped3A : memref<!tpu.dma_semaphore, #tpu.memory_space<semaphore_mem>>) src(%dma_wait3A_58 : memref<16xi32, #tpu.memory_space<hbm>>) dst(%arg9 : memref<16xi32, #tpu.memory_space<vmem>>)
      tpu.yield
    }) : () -> ()
    %dma_start3A_30 = arith.constant 0 : i32
    %dma_start3A_31 = arith.constant 0 : i32
    %dma_start3A_32 = tpu.memref_slice %arg6[%dma_start3A_30, %dma_start3A_31] : memref<128x128xf32, #tpu.memory_space<vmem>> -> memref<16x128xf32, #tpu.memory_space<vmem>>
    %dma_start3A_33 = arith.constant 0 : i32
    %dma_start3A_34 = arith.constant 0 : i32
    %dma_start3A_35 = tpu.memref_slice %arg10[%dma_start3A_33, %dma_start3A_34] : memref<10000x128xf32, #tpu.memory_space<vmem_shared>> -> memref<10000x128xf32, #tpu.memory_space<vmem_shared>>
    tpu.enqueue_indirect_dma source(%dma_start3A_32 : memref<16x128xf32, #tpu.memory_space<vmem>>) target(%dma_start3A_35 : memref<10000x128xf32, #tpu.memory_space<vmem_shared>>) offsets(%arg9 : memref<16xi32, #tpu.memory_space<vmem>>) semaphore(%arg13 : memref<!tpu.dma_semaphore, #tpu.memory_space<semaphore_mem>>) {add = true}
    %dma_wait3A_36 = arith.constant 0 : i32
    %dma_wait3A_37 = arith.constant 0 : i32
    %dma_wait3A_38 = tpu.memref_slice %arg6[%dma_wait3A_36, %dma_wait3A_37] : memref<128x128xf32, #tpu.memory_space<vmem>> -> memref<16x128xf32, #tpu.memory_space<vmem>>
    %dma_wait3A_39 = arith.constant 0 : i32
    %dma_wait3A_40 = arith.constant 0 : i32
    %dma_wait3A_41 = tpu.memref_slice %arg10[%dma_wait3A_39, %dma_wait3A_40] : memref<10000x128xf32, #tpu.memory_space<vmem_shared>> -> memref<10000x128xf32, #tpu.memory_space<vmem_shared>>
    tpu.wait_indirect_dma semaphore(%arg13 : memref<!tpu.dma_semaphore, #tpu.memory_space<semaphore_mem>>) src(%dma_wait3A_38 : memref<16x128xf32, #tpu.memory_space<vmem>>) dst(%dma_wait3A_41 : memref<10000x128xf32, #tpu.memory_space<vmem_shared>>)
    %barrier3A_42 = arith.constant 0 : index
    tpu.barrier barrier_id(%barrier3A_42)
    %mul3A_43 = arith.constant 10000 : i32
    %mul3A_44 = arith.muli %arg0, %mul3A_43 : i32
    %lt3A_45 = arith.constant 15 : i32
    %lt3A_46 = arith.cmpi slt, %arg1, %lt3A_45 : i32
    %convert_element_type3A_47 = arith.extui %lt3A_46 : i1 to i32
    %cond3A_48 = arith.constant 0 : i32
    %cond3A_49 = arith.cmpi ne, %convert_element_type3A_47, %cond3A_48 : i32
    scf.if %cond3A_49 {
      %mul3A_55 = arith.constant 624 : i32
      %mul3A_56 = arith.muli %arg1, %mul3A_55 : i32
      %mul3A_57 = arith.constant 624 : i32
      %mul3A_58 = arith.muli %arg1, %mul3A_57 : i32
      %add3A_59 = arith.addi %mul3A_44, %mul3A_58 : i32
      "tpu.region"() ({
        %run_scoped3A = tpu.sem_alloc : memref<!tpu.dma_semaphore, #tpu.memory_space<semaphore_mem>>
        %dma_start3A_60 = arith.constant 0 : i32
        %dma_start3A_61 = tpu.memref_slice %arg5[%add3A_59, %dma_start3A_60] : memref<20000x128xf32, #tpu.memory_space<hbm>> -> memref<624x128xf32, #tpu.memory_space<hbm>>
        %dma_start3A_62 = arith.constant 0 : i32
        %dma_start3A_63 = tpu.memref_slice %arg10[%mul3A_56, %dma_start3A_62] : memref<10000x128xf32, #tpu.memory_space<vmem_shared>> -> memref<624x128xf32, #tpu.memory_space<vmem_shared>>
        tpu.enqueue_dma source(%dma_start3A_63 : memref<624x128xf32, #tpu.memory_space<vmem_shared>>) target(%dma_start3A_61 : memref<624x128xf32, #tpu.memory_space<hbm>>) target_semaphore(%run_scoped3A : memref<!tpu.dma_semaphore, #tpu.memory_space<semaphore_mem>>)
        %dma_wait3A_64 = arith.constant 0 : i32
        %dma_wait3A_65 = tpu.memref_slice %arg5[%add3A_59, %dma_wait3A_64] : memref<20000x128xf32, #tpu.memory_space<hbm>> -> memref<624x128xf32, #tpu.memory_space<hbm>>
        %dma_wait3A_66 = arith.constant 0 : i32
        %dma_wait3A_67 = tpu.memref_slice %arg10[%mul3A_56, %dma_wait3A_66] : memref<10000x128xf32, #tpu.memory_space<vmem_shared>> -> memref<624x128xf32, #tpu.memory_space<vmem_shared>>
        tpu.wait_dma2 semaphore(%run_scoped3A : memref<!tpu.dma_semaphore, #tpu.memory_space<semaphore_mem>>) src(%dma_wait3A_67 : memref<624x128xf32, #tpu.memory_space<vmem_shared>>) dst(%dma_wait3A_65 : memref<624x128xf32, #tpu.memory_space<hbm>>)
        tpu.yield
      }) : () -> ()
    } else {
    }
    %eq3A_50 = arith.constant 15 : i32
    %eq3A_51 = arith.cmpi eq, %arg1, %eq3A_50 : i32
    %convert_element_type3A_52 = arith.extui %eq3A_51 : i1 to i32
    %cond3A_53 = arith.constant 0 : i32
    %cond3A_54 = arith.cmpi ne, %convert_element_type3A_52, %cond3A_53 : i32
    scf.if %cond3A_54 {
      %add3A_55 = arith.constant 9360 : i32
      %add3A_56 = arith.addi %mul3A_44, %add3A_55 : i32
      "tpu.region"() ({
        %run_scoped3A = tpu.sem_alloc : memref<!tpu.dma_semaphore, #tpu.memory_space<semaphore_mem>>
        %dma_start3A_57 = arith.constant 0 : i32
        %dma_start3A_58 = tpu.memref_slice %arg5[%add3A_56, %dma_start3A_57] : memref<20000x128xf32, #tpu.memory_space<hbm>> -> memref<640x128xf32, #tpu.memory_space<hbm>>
        %dma_start3A_59 = arith.constant 9360 : i32
        %dma_start3A_60 = arith.constant 0 : i32
        %dma_start3A_61 = tpu.memref_slice %arg10[%dma_start3A_59, %dma_start3A_60] : memref<10000x128xf32, #tpu.memory_space<vmem_shared>> -> memref<640x128xf32, #tpu.memory_space<vmem_shared>>
        tpu.enqueue_dma source(%dma_start3A_61 : memref<640x128xf32, #tpu.memory_space<vmem_shared>>) target(%dma_start3A_58 : memref<640x128xf32, #tpu.memory_space<hbm>>) target_semaphore(%run_scoped3A : memref<!tpu.dma_semaphore, #tpu.memory_space<semaphore_mem>>)
        %dma_wait3A_62 = arith.constant 0 : i32
        %dma_wait3A_63 = tpu.memref_slice %arg5[%add3A_56, %dma_wait3A_62] : memref<20000x128xf32, #tpu.memory_space<hbm>> -> memref<640x128xf32, #tpu.memory_space<hbm>>
        %dma_wait3A_64 = arith.constant 9360 : i32
        %dma_wait3A_65 = arith.constant 0 : i32
        %dma_wait3A_66 = tpu.memref_slice %arg10[%dma_wait3A_64, %dma_wait3A_65] : memref<10000x128xf32, #tpu.memory_space<vmem_shared>> -> memref<640x128xf32, #tpu.memory_space<vmem_shared>>
        tpu.wait_dma2 semaphore(%run_scoped3A : memref<!tpu.dma_semaphore, #tpu.memory_space<semaphore_mem>>) src(%dma_wait3A_66 : memref<640x128xf32, #tpu.memory_space<vmem_shared>>) dst(%dma_wait3A_63 : memref<640x128xf32, #tpu.memory_space<hbm>>)
        tpu.yield
      }) : () -> ()
    } else {
    }
    return
  }
}

</mosaic_0001>

<sc_bundles>
// kernel: _deg_call.3.cloned.1.call-start
scs
__scs_entry_jumppad:
0x0: {  	(pc) =	sbr.rel $0x88, $3  }
0x1: {  	(tag) =	ssettag $0x0;
	lr =	simm.s32 $0x1  }
0x2: {  	[smem:$0x3F9E] =	sst lr;
	_ =	strace $0xD0000000  }
0x3: {  	_ = 	snop  }
0x4: {  	_ = 	snop  }
0x5: {  	_ = 	snop  }
0x6: {  	_ = 	snop  }
0x7: {  	_ = 	snop  }
__scs_overlays_trampoline_lowered:
0x8: {  	[smem:$0x3FAD] =	sst s0  }
0x9: {  	[smem:$0x3FAE] =	sst s1  }
0xa: {  	[smem:$0x3FAF] =	sst s2  }
0xb: {  	[smem:$0x3FB0] =	sst s3  }
0xc: {  	[smem:$0x3FB1] =	sst s4  }
0xd: {  	[smem:$0x3FB2] =	sst s5  }
0xe: {  	[smem:$0x3FB3] =	sst s6  }
0xf: {  	[smem:$0x3FB4] =	sst s7  }
0x10: {  	[smem:$0x3FB5] =	sst s8  }
0x11: {  	[smem:$0x3FB6] =	sst s9;
	s0 =	simm.s32 @!p0 $0x0  }
0x12: {  	s1 =	sld [smem:$0x3F9C];
	s0 =	simm.s32 @p0 $0x1  }
0x13: {  	[smem:$0x3FB7] =	sst s0;
	s0 =	simm.s32 @!p1 $0x0  }
0x14: {  	s2 =	sld [smem:$0x3F9B];
	s0 =	simm.s32 @p1 $0x1  }
0x15: {  	[smem:$0x3FB8] =	sst s0;
	s0 =	simm.s32 @!p2 $0x0  }
0x16: {  	s3 =	sld [smem:$0x3FDB];
	s0 =	simm.s32 @p2 $0x1  }
0x17: {  	s4 =	simm.s32 $0x1BF5;
	[smem:$0x3FBA] =	sst s0  }
0x18: {  	s0 =	sld [smem:$0x3F9D];
	_ =	swait.ge [sflag:s4], $0x0  }
0x19: {  	s7 =	sld [smem:$0x3F9E]  }
0x1a: {  	s8 =	sadd.s32 $0xFFFFE003, lr  }
0x1b: {  	s9 =	sadd.s32 $0xFFFFFEF7, lr;
	s5 =	simm.s32 $0xFFFFFFFF;
	p2 =	slt.u32 s8, $0xFFFFF086  }
0x1c: {  	p1 =	slt.u32 s9, $0xF7A;
	s5 =	simm.s32 @!p2 $0x0  }
0x1d: {  	s5 =	simm.s32 @p1 $0x1;
	p0 =	seq.s32 s7, s2  }
0x1e: {  	s7 =	smul.u32 @!p0 $0xF7A, s2;
	p2 =	seq.s32 @!p0 s5, $0x0  }
0x1f: {  	s9 =	smul.u32 $0xF7A, s1;
	s8 =	simm.s32 @!p0 $0x1BF5;
	p2 =	por !p2, p0  }
0x20: {  	[sflag:s8] =	ssyncset.s32 @!p0 $0xFFFFF086;
	s6 =	sadd.s32 @!p0 s3, s7;
	s7 =	simm.s32 @!p0 $0x108  }
0x21: {  	s3 =	sadd.s32 s3, s9;
	s6 =	sadd.s32 @!p0 $0x88, s6;
	s7 =	simm.s32 @p2 $0x1082  }
0x22: {  	[simem:s7], [sflag:s8] =	dma.local @!p0 [hbm:s6], $0xF7A  }
0x23: {  	s9 =	sor.u32 $0xD0000000, s2;
	s6 =	simm.s32 $0x108;
	_ =	swait.ge @!p0 [sflag:s8], $0x0  }
0x24: {  	s3 =	sadd.s32 $0x88, s3;
	s6 =	simm.s32 @!p1 $0x1082;
	[sflag:s4] =	ssyncset.s32 $0xFFFFF086  }
0x25: {  	[simem:s6], [sflag:s4] =	dma.local [hbm:s3], $0xF7A  }
0x26: {  	[smem:$0x3F9E] =	sst s1;
	(tag) =	ssettag s2;
	_ =	strace s9  }
0x27: {  	s1 =	sld [smem:$0x3FAE]  }
0x28: {  	s2 =	sld [smem:$0x3FAF]  }
0x29: {  	s4 =	sld [smem:$0x3FB1]  }
0x2a: {  	p0 =	seq.s32 s5, $0x0;
	s5 =	sld [smem:$0x3FB2]  }
0x2b: {  	s6 =	sld [smem:$0x3FB3]  }
0x2c: {  	s7 =	sld [smem:$0x3FB4]  }
0x2d: {  	s3 =	simm.s32 $0x108;
	s8 =	sld [smem:$0x3FB5]  }
0x2e: {  	s3 =	simm.s32 @!p0 $0x1082;
	s9 =	sld [smem:$0x3FB6]  }
0x2f: {  	lr =	sadd.s32 s0, s3;
	s0 =	sld [smem:$0x3FAD]  }
0x30: {  	s3 =	sld [smem:$0x3FB0]  }
0x31: {  	[smem:$0x3FB9] =	sst s10  }
0x32: {  	s10 =	sld [smem:$0x3FB7];
	_ =	sdelay $0x3  }
0x33: {  	p0 =	seq.s32 s10, $0x1;
	s10 =	sld [smem:$0x3FB9];
	_ =	sdelay $0x3  }
0x34: {  	[smem:$0x3FB9] =	sst s10  }
0x35: {  	s10 =	sld [smem:$0x3FB8];
	_ =	sdelay $0x3  }
0x36: {  	p1 =	seq.s32 s10, $0x1;
	s10 =	sld [smem:$0x3FB9];
	_ =	sdelay $0x3  }
0x37: {  	[smem:$0x3FB9] =	sst s10  }
0x38: {  	s10 =	sld [smem:$0x3FBA]  }
0x39: {  	_ = 	snop;
	(pc) =	sbr.ind lr, $3  }
0x3a: {  	_ = 	snop  }
0x3b: {  	_ = 	snop  }
0x3c: {  	p2 =	seq.s32 s10, $0x1;
	s10 =	sld [smem:$0x3FB9]  }
0x3d: {  	_ =	shalt  }
0x3e: {  	_ =	shalt  }
0x3f: {  	_ =	shalt  }
0x40: {  	_ =	shalt  }
0x41: {  	_ =	shalt  }
0x42: {  	_ =	shalt  }
0x43: {  	_ =	shalt  }
0x44: {  	_ =	shalt  }
0x45: {  	_ =	shalt  }
0x46: {  	_ =	shalt  }
0x47: {  	_ =	shalt  }
0x48: {  	_ =	shalt  }
0x49: {  	_ =	shalt  }
0x4a: {  	_ =	shalt  }
0x4b: {  	_ =	shalt  }
0x4c: {  	_ =	shalt  }
0x4d: {  	_ =	shalt  }
0x4e: {  	_ =	shalt  }
0x4f: {  	_ =	shalt  }
0x50: {  	_ =	shalt  }
0x51: {  	_ =	shalt  }
0x52: {  	_ =	shalt  }
0x53: {  	_ =	shalt  }
0x54: {  	_ =	shalt  }
0x55: {  	_ =	shalt  }
0x56: {  	_ =	shalt  }
0x57: {  	_ =	shalt  }
0x58: {  	_ =	shalt  }
0x59: {  	_ =	shalt  }
0x5a: {  	_ =	shalt  }
0x5b: {  	_ =	shalt  }
0x5c: {  	_ =	shalt  }
0x5d: {  	_ =	shalt  }
0x5e: {  	_ =	shalt  }
0x5f: {  	_ =	shalt  }
0x60: {  	_ =	shalt  }
0x61: {  	_ =	shalt  }
0x62: {  	_ =	shalt  }
0x63: {  	_ =	shalt  }
0x64: {  	_ =	shalt  }
0x65: {  	_ =	shalt  }
0x66: {  	_ =	shalt  }
0x67: {  	_ =	shalt  }
0x68: {  	_ =	shalt  }
0x69: {  	_ =	shalt  }
0x6a: {  	_ =	shalt  }
0x6b: {  	_ =	shalt  }
0x6c: {  	_ =	shalt  }
0x6d: {  	_ =	shalt  }
0x6e: {  	_ =	shalt  }
0x6f: {  	_ =	shalt  }
0x70: {  	_ =	shalt  }
0x71: {  	_ =	shalt  }
0x72: {  	_ =	shalt  }
0x73: {  	_ =	shalt  }
0x74: {  	_ =	shalt  }
0x75: {  	_ =	shalt  }
0x76: {  	_ =	shalt  }
0x77: {  	_ =	shalt  }
0x78: {  	_ =	shalt  }
0x79: {  	_ =	shalt  }
0x7a: {  	_ =	shalt  }
0x7b: {  	_ =	shalt  }
0x7c: {  	_ =	shalt  }
0x7d: {  	_ =	shalt  }
0x7e: {  	_ =	shalt  }
0x7f: {  	_ =	shalt  }
0x80: {  	_ =	shalt  }
0x81: {  	_ =	shalt  }
0x82: {  	_ =	shalt  }
0x83: {  	_ =	shalt  }
0x84: {  	_ =	shalt  }
0x85: {  	_ =	shalt  }
0x86: {  	_ =	shalt  }
0x87: {  	_ =	shalt  }
.Lfunc_end0:
.L_simem_size_0:
called_computation_lowered:
.L_overlay_start_0:
0x88: {  	s2 =	sld [smem:$0x3FD9]  }
0x89: {  	s3 =	sld [smem:$0x3FFE];
	_ =	sdelay $0x1  }
0x8a: {  	s1 =	srdreg.scid  }
0x8b: {  	s0 =	sand.u32 $0x1, s1  }
0x8c: {  	s18 =	sshll.u32 s0, $0xA;
	s2 =	sadd.s32 s3, s2  }
0x8d: {  	s2 =	sadd.s32 s2, s18  }
0x8e: {  	[smem:$0x3FC5] =	sst s2  }
0x8f: {  	_ = 	snop  }
0x90: {  	s2 =	sld [smem:$0x3FC9]  }
0x91: {  	s19 =	sld [smem:$0x3FC8]  }
0x92: {  	s4 =	sld [smem:$0x3FC7]  }
0x93: {  	s5 =	sld [smem:$0x3FD0];
	(tm) =	ssettm $0x1  }
0x94: {  	s6 =	sld [smem:$0x3FFB];
	_ =	sdelay $0x3  }
0x95: {  	_ =	strace s6  }
0x96: {  	s6 =	sld [smem:$0x3FFC];
	_ =	sdelay $0x3  }
0x97: {  	_ =	strace s6  }
0x98: {  	s6 =	sld [smem:$0x3FFD];
	_ =	sdelay $0x3  }
0x99: {  	_ =	strace s6  }
0x9a: {  	_ =	strace $0x8FFFFFFF  }
0x9b: {  	s20 =	sld [smem:$0x3FDB];
	_ =	sdelay $0x1  }
0x9c: {  	s7 =	simm.s32 $_scs_section_size  }
0x9d: {  	s8 =	simm.s32 $_size__tile_overlayer_lowered;
	s9 =	simm.s32 $_tile_overlayer_lowered  }
0x9e: {  	s23 =	simm.s32 $0x1BFF;
	s22 =	sshll.u32 s9, $0x1;
	s6 =	sadd.s32 s7, s20  }
0x9f: {  	s10 =	simm.s32 $0x0;
	s21 =	sshll.u32 s8, $0x1;
	s8 =	sadd.s32 s22, s6  }
0xa0: {  	[timem:s10], [sflag:s23] =	dma.local [hbm:s8], s21  }
0xa1: {  	_ =	swait.ge [sflag:s23], s21  }
0xa2: {  	s7 =	ssub.s32 $0x0, s21;
	[sflag:s23] =	ssyncset.done $0x0  }
0xa3: {  	[sflag:s23] =	ssyncadd.s32 s7;
	_ =	sdelay $0x1  }
0xa4: {  	s24 =	simm.s32 $0x1B8B  }
0xa5: {  	_ =	swait.ge [sflag:s24], $0x1  }
0xa6: {  	[sflag:s24] =	ssyncset.done $0x0  }
0xa7: {  	s25 =	simm.s32 $0x1B8E;
	[sflag:s24] =	ssyncadd.s32 $0xFFFFFFFF  }
0xa8: {  	s26 =	simm.s32 $execute0_lowered;
	[smem:$0x3FD2] =	sst s25  }
0xa9: {  	s7 =	sshll.u32 s26, $0x1;
	_ =	strace $0x80000046;
	[dreg:$0x1] =	wrdreg $0xFFFFFFFF  }
0xaa: {  	s28 =	simm.s32 $_size_execute0_lowered;
	s6 =	sadd.s32 s6, s7;
	[dreg:$0x0] =	wrdreg $0x0  }
0xab: {  	s7 =	sshll.u32 s28, $0x1;
	[dreg:$0x2] =	wrdreg s6  }
0xac: {  	[dreg:$0x3] =	wrdreg s7  }
0xad: {  	[dreg:$0x4] =	wrdreg $0xC0  }
0xae: {  	_ =	task [dreg:s10], $0x5FFFF  }
0xaf: {  	[dreg:$0x1] =	wrdreg $0xFFFFFFFF  }
0xb0: {  	[dreg:$0x0] =	wrdreg $0x60  }
0xb1: {  	[dreg:$0x2] =	wrdreg s2  }
0xb2: {  	[dreg:$0x3] =	wrdreg s19  }
0xb3: {  	[dreg:$0x4] =	wrdreg s4  }
0xb4: {  	[dreg:$0x5] =	wrdreg s5  }
0xb5: {  	[dreg:$0x6] =	wrdreg $0x41800  }
0xb6: {  	[dreg:$0x7] =	wrdreg $0x9  }
0xb7: {  	_ =	task.clear_ibuf [dreg:s10], $0x8FFFF;
	_ =	strace $0x90000046  }
0xb8: {  	s29 =	simm.s32 $0x9;
	_ =	strace $0x80000048  }
0xb9: {  	_ =	swait.ge [sflag:s29], $0x1  }
0xba: {  	[sflag:s29] =	ssyncadd.s32 $0xFFFFFFFF  }
0xbb: {  	_ =	strace $0x90000048  }
0xbc: {  	_ =	sfence  }
0xbd: {  	s30 =	sld [smem:$0x0];
	_ =	sdelay $0x2  }
0xbe: {  	s31 =	sshll.u32 s1, $0xD;
	s1 =	sshrl.u32 s1, $0x2  }
0xbf: {  	s3 =	sand.u32 $0x4000, s31;
	s1 =	sadd.s32 s1, s30  }
0xc0: {  	s0 =	sor.u32 s3, s0;
	s1 =	sshll.u32 s1, $0x11  }
0xc1: {  	s0 =	sor.u32 s1, s0  }
0xc2: {  	s0 =	sadd.s32 $0x8F2B, s0  }
0xc3: {  	[sflag:s0] =	ssyncadd.remote.s32 $0x1  }
0xc4: {  	_ =	sfence.sel $0xFFFF  }
0xc5: {  	[dreg:$0x0] =	wrdreg $0xFFFFFFFF;
	(pc) =	sbr.abs _section_cstart, $3  }
0xc6: {  	[dreg:$0x1] =	wrdreg $0xFFFFFFFF  }
0xc7: {  	_ =	task.clear_ibuf [dreg:s10], $0x2FFFF;
	_ =	strace $0x9FFFFFFF  }
0xc8: {  	(tm) =	ssettm $0x7FFFFFFF  }
0xc9: {  	_ =	shalt  }
tec
execute0_lowered:
.L_overlay_start_1:
0x0: {  	(tag) =	ssettag $0x1  }
0x1: {  	s1 =	rddreg [dreg:$0x0]  }
0x2: {  	s2 =	rddreg [dreg:$0x1]  }
0x3: {  	s3 =	rddreg [dreg:$0x2]  }
0x4: {  	s10 =	rddreg [dreg:$0x3]  }
0x5: {  	s4 =	rddreg [dreg:$0x4];
	s5 =	srdreg.scid;
	s6 =	simm.s32 $0x0  }
0x6: {  	s18 =	simm.s32 $0x4;
	s19 =	simm.s32 $0x4000;
	s20 =	simm.s32 $0x80  }
0x7: {  	s21 =	simm.s32 $0x4080;
	s7 =	sand.u32 $0x1, s5;
	s5 =	stileid.u32  }
0x8: {  	s22 =	simm.s32 $0x1;
	s23 =	simm.s32 $0x2;
	s11 =	smul.u32 $0x4E000, s5  }
0x9: {  	s24 =	simm.s32 $0x4100;
	s25 =	simm.s32 $0x10;
	s13 =	smul.u32 $0x27100, s7  }
0xa: {  	s28 =	simm.s32 $0x0;
	[smem:$0x7FF] =	sst s6;
	s29 =	smul.u32 $0x138800, s7  }
0xb: {  	s15 =	sadd.s32 $0x124800, s4;
	s8 =	sshll.u32 s7, $0x4;
	s14 =	smul.u32 $0x2710, s5  }
0xc: {  	s9 =	ssub.s32 $0x2, s7;
	_ =	strace $0x80000047;
	s16 =	smul.u32 $0x2700, s5  }
0xd: {  	p0 =	seq.s32 s5, $0xF;
	s8 =	sor.u32 s5, s8;
	s12 =	sshrl.u32 s9, $0x1  }
0xe: {  	s15 =	sshrl.u32 @p0 s15, $0x3;
	s8 =	smul.u32 $0x2710, s8;
	s12 =	ssub.s32 s9, s12  }
0xf: {  	s26 =	sshrl.u32 s11, $0x2;
	s11 =	sshrl.u32 s29, $0x3;
	s14 =	sadd.s32 s14, s13  }
0x10: {  	s13 =	sadd.s32 s16, s13;
	s16 =	sshll.u32 @!p0 s5, $0x6;
	s17 =	sadd.s32 s26, s4  }
0x11: {  	s11 =	sadd.s32 s10, s11;
	s30 =	sadd.s32 $0x180, s14;
	s10 =	sadd.s32 s10, s13  }
0x12: {  	s12 =	smax.u32 s12, $0x1;
	s14 =	sadd.s32 $0x100, s14;
	s16 =	sor.u32 @!p0 $0x1C04, s16  }
0x13: {  	s26 =	simm.s32 $0x3;
	s8 =	sshrl.u32 s8, $0x3;
	s11 =	sadd.s32 $0x24900, s11  }
0x14: {  	s31 =	sshrl.u32 s30, $0x3;
	s17 =	sshrl.u32 @!p0 s17, $0x3;
	s7 =	sadd.s32 s1, s8  }
0x15: {  	s13 =	sadd.s32 s31, s1;
	s8 =	sadd.s32 $0x10, s7;
	s9 =	sadd.s32 $0x4E0, s7  }
.LBB2_1:
0x16: {  	s29 =	simm.s32 @p0 $0x1FC4  }
0x17: {  	[spmem:s15], [sflag:s29] =	dma.local @p0 [hbm:s2], $0x2800  }
0x18: {  	s29 =	simm.s32 @p0 $0x4  }
0x19: {  	_ =	swait.ge @p0 [sflag:s29], $0x2800  }
0x1a: {  	[sflag:s29] =	ssyncset.done @p0 $0x0  }
0x1b: {  	[sflag:s29] =	ssyncadd.s32 @p0 $0xFFFFD800;
	s29 =	simm.s32 @!p0 $0x4  }
0x1c: {  	[spmem:s17], [sflag:s16] =	dma.local @!p0 [hbm:s2], $0x2700  }
0x1d: {  	_ =	swait.ge @!p0 [sflag:s29], $0x2700  }
0x1e: {  	[sflag:s29] =	ssyncset.done @!p0 $0x0  }
0x1f: {  	[sflag:s29] =	ssyncadd.s32 @!p0 $0xFFFFD900  }
0x20: {  	[tilespmem:s6], [sflag:$0x4] =	stream.linear.gather [hbm4b:s3+s6], $0x4000, $0x38;
	[tilespmem:$0x17A00] =	vst v63  }
0x21: {  	_ =	swait.ge [sflag:s18], $0x4000  }
0x22: {  	[sflag:s18] =	ssyncset.done $0x0  }
0x23: {  	[sflag:s18] =	ssyncadd.s32 $0xFFFFC000  }
0x24: {  	[bflag:$0x0] =	sbarrier.arrive $0xFFFF  }
0x25: {  	[tilespmem:s19], [sflag:$0x4] =	stream.linear.gather [hbm4b:s7+s6], $0x80, $0x38;
	[tilespmem:$0x17A00] =	vst v63  }
0x26: {  	_ =	swait.ge [sflag:s18], $0x80  }
0x27: {  	[sflag:s18] =	ssyncset.done $0x0  }
0x28: {  	[sflag:s18] =	ssyncadd.s32 $0xFFFFFF80  }
0x29: {  	[spmem:s4] =	stream.indirect.scatter.add.f32 [tilespmem:s6], [sflag:$0x1], $0x80, s19, s20, $0xb8;
	[tilespmem:$0x17A00] =	vst v63  }
0x2a: {  	_ = 	snop  }
0x2b: {  	[tilespmem:s21], [sflag:$0x4] =	stream.linear.gather [hbm4b:s8+s6], $0x80, $0x38;
	[tilespmem:$0x17A00] =	vst v63  }
0x2c: {  	_ =	swait.ge [sflag:s18], $0x80  }
0x2d: {  	[sflag:s18] =	ssyncset.done $0x0  }
0x2e: {  	[sflag:s18] =	ssyncadd.s32 $0xFFFFFF80  }
0x2f: {  	[spmem:s4] =	stream.indirect.scatter.add.f32 [tilespmem:s6], [sflag:$0x2], $0x80, s21, s20, $0xb8;
	[tilespmem:$0x17A00] =	vst v63  }
0x30: {  	_ =	swait.ge [sflag:s22], $0x4000  }
0x31: {  	s29 =	sshrl.u32 s14, $0x3;
	[sflag:s22] =	ssyncset.done $0x0  }
0x32: {  	s29 =	sadd.s32 s1, s29;
	[sflag:s22] =	ssyncadd.s32 $0xFFFFC000  }
0x33: {  	[tilespmem:s19], [sflag:$0x4] =	stream.linear.gather [hbm4b:s29+s6], $0x80, $0x38;
	[tilespmem:$0x17A00] =	vst v63  }
0x34: {  	_ =	swait.ge [sflag:s18], $0x80  }
0x35: {  	[sflag:s18] =	ssyncset.done $0x0  }
0x36: {  	[sflag:s18] =	ssyncadd.s32 $0xFFFFFF80  }
0x37: {  	[spmem:s4] =	stream.indirect.scatter.add.f32 [tilespmem:s6], [sflag:$0x1], $0x80, s19, s20, $0xb8;
	[tilespmem:$0x17A00] =	vst v63  }
0x38: {  	_ =	swait.ge [sflag:s23], $0x4000  }
0x39: {  	[sflag:s23] =	ssyncset.done $0x0  }
0x3a: {  	s29 =	sadd.s32 $0x0, s13;
	[sflag:s23] =	ssyncadd.s32 $0xFFFFC000  }
0x3b: {  	[tilespmem:s21], [sflag:$0x4] =	stream.linear.gather [hbm4b:s29+s6], $0x80, $0x38;
	[tilespmem:$0x17A00] =	vst v63  }
0x3c: {  	_ =	swait.ge [sflag:s18], $0x80  }
0x3d: {  	[sflag:s18] =	ssyncset.done $0x0  }
0x3e: {  	s30 =	sadd.s32 $0x100, s14;
	s29 =	simm.s32 $0x20;
	[sflag:s18] =	ssyncadd.s32 $0xFFFFFF80  }
.LBB2_2:
0x3f: {  	[spmem:s4] =	stream.indirect.scatter.add.f32 [tilespmem:s6], [sflag:$0x2], $0x80, s21, s20, $0xb8;
	[tilespmem:$0x17A00] =	vst v63  }
0x40: {  	s31 =	smov.u32 s29  }
0x41: {  	p1 =	sne.s32 s29, $0x4A0;
	s29 =	sadd.s32 $0x20, s29;
	_ =	swait.ge [sflag:s22], $0x4000  }
0x42: {  	s0 =	sshrl.u32 s30, $0x3;
	[sflag:s22] =	ssyncset.done $0x0  }
0x43: {  	s0 =	sadd.s32 s1, s0;
	[sflag:s22] =	ssyncadd.s32 $0xFFFFC000  }
0x44: {  	[tilespmem:s19], [sflag:$0x4] =	stream.linear.gather [hbm4b:s0+s6], $0x80, $0x38;
	[tilespmem:$0x17A00] =	vst v63  }
0x45: {  	_ =	swait.ge [sflag:s18], $0x80  }
0x46: {  	[sflag:s18] =	ssyncset.done $0x0  }
0x47: {  	[sflag:s18] =	ssyncadd.s32 $0xFFFFFF80  }
0x48: {  	[spmem:s4] =	stream.indirect.scatter.add.f32 [tilespmem:s6], [sflag:$0x1], $0x80, s19, s20, $0xb8;
	[tilespmem:$0x17A00] =	vst v63  }
0x49: {  	_ =	swait.ge [sflag:s23], $0x4000  }
0x4a: {  	[sflag:s23] =	ssyncset.done $0x0  }
.Ltmp0:
0x4b: {  	s0 =	sadd.s32 s31, s13;
	[sflag:s23] =	ssyncadd.s32 $0xFFFFC000;
	(pc) =	sbr.rel @p1 .LBB2_2-.Ltmp0, $4  }
0x4c: {  	[tilespmem:s21], [sflag:$0x4] =	stream.linear.gather [hbm4b:s0+s6], $0x80, $0x38;
	[tilespmem:$0x17A00] =	vst v63  }
0x4d: {  	_ =	swait.ge [sflag:s18], $0x80  }
0x4e: {  	[sflag:s18] =	ssyncset.done $0x0  }
0x4f: {  	s30 =	sadd.s32 $0x100, s30;
	[sflag:s18] =	ssyncadd.s32 $0xFFFFFF80  }
0x50: {  	[spmem:s4] =	stream.indirect.scatter.add.f32 [tilespmem:s6], [sflag:$0x2], $0x80, s21, s20, $0xb8;
	[tilespmem:$0x17A00] =	vst v63  }
0x51: {  	_ =	swait.ge [sflag:s22], $0x4000  }
0x52: {  	[sflag:s22] =	ssyncset.done $0x0  }
0x53: {  	[sflag:s22] =	ssyncadd.s32 $0xFFFFC000  }
0x54: {  	_ =	swait.ge [sflag:s23], $0x4000  }
0x55: {  	[sflag:s23] =	ssyncset.done $0x0  }
0x56: {  	[sflag:s23] =	ssyncadd.s32 $0xFFFFC000  }
0x57: {  	[tilespmem:s24], [sflag:$0x4] =	stream.linear.gather [hbm4b:s9+s6], $0x10, $0x38;
	[tilespmem:$0x17A00] =	vst v63  }
0x58: {  	_ =	swait.ge [sflag:s18], $0x10  }
0x59: {  	[sflag:s18] =	ssyncset.done $0x0  }
0x5a: {  	[sflag:s18] =	ssyncadd.s32 $0xFFFFFFF0  }
0x5b: {  	[spmem:s4] =	stream.indirect.scatter.add.f32 [tilespmem:s6], [sflag:$0x3], $0x80, s24, s25, $0xb8;
	[tilespmem:$0x17A00] =	vst v63  }
0x5c: {  	_ =	swait.ge [sflag:s26], $0x800  }
0x5d: {  	[sflag:s26] =	ssyncset.done $0x0  }
0x5e: {  	[sflag:s26] =	ssyncadd.s32 $0xFFFFF800  }
0x5f: {  	s0 =	simm.s32 @p0 $0x1FC4;
	[bflag:$0x0] =	sbarrier.arrive $0xFFFF  }
0x60: {  	[hbm:s11], [sflag:s0] =	dma.local @p0 [spmem:s15], $0x2800  }
0x61: {  	s0 =	simm.s32 @p0 $0x4  }
0x62: {  	s28 =	sadd.s32 $0x1, s28;
	_ =	swait.ge @p0 [sflag:s0], $0x2800  }
0x63: {  	p1 =	sne.s32 s28, s12;
	[sflag:s0] =	ssyncset.done @p0 $0x0  }
.Ltmp1:
0x64: {  	[sflag:s0] =	ssyncadd.s32 @p0 $0xFFFFD800;
	s0 =	simm.s32 @!p0 $0x4;
	(pc) =	sbr.rel @p1 .LBB2_1-.Ltmp1, $4  }
0x65: {  	[hbm:s10], [sflag:s16] =	dma.local @!p0 [spmem:s17], $0x2700  }
0x66: {  	_ =	swait.ge @!p0 [sflag:s0], $0x2700  }
0x67: {  	[sflag:s0] =	ssyncset.done @!p0 $0x0  }
0x68: {  	[sflag:s0] =	ssyncadd.s32 @!p0 $0xFFFFD900  }
0x69: {  	_ =	sfence.sel $0x180000  }
0x6a: {  	[bflag:$0x0] =	sbarrier.arrive $0xFFFF  }
0x6b: {  	_ =	strace $0x90000047  }
0x6c: {  	[bflag:$0x2] =	sbarrier.arrive $0xFFFF  }
0x6d: {  	p0 =	sne.s32 s5, $0x0;
	s0 =	rddreg [dreg:$0x5]  }
0x6e: {  	s0 =	sadd.s32 @!p0 $0x100000, s0  }
0x6f: {  	[sflag:s0] =	ssyncadd.tile.s32 @!p0 $0x1;
	_ =	shalt  }
.Lfunc_end2:
_tile_overlayer_lowered:
.L_overlay_start_2:
0x70: {  	(tag) =	ssettag $0x2  }
0x71: {  	s0 =	rddreg [dreg:$0x0];
	s2 =	stileid.u32  }
0x72: {  	s1 =	rddreg [dreg:$0x1];
	p0 =	sne.s32 s2, $0x0  }
0x73: {  	s3 =	rddreg [dreg:$0x2];
	[bflag:$0x3] =	sbarrier.arrive $0xFFFF;
	s2 =	simm.s32 @!p0 $0x1C04  }
0x74: {  	[timem:s3], [sflag:s2] =	dma.local @!p0 [hbm:s0], s1  }
0x75: {  	s0 =	simm.s32 @!p0 $0x4  }
0x76: {  	_ =	swait.ge @!p0 [sflag:s0], s1  }
0x77: {  	s1 =	ssub.s32 @!p0 $0x0, s1;
	[sflag:s0] =	ssyncset.done @!p0 $0x0  }
0x78: {  	[sflag:s0] =	ssyncadd.s32 @!p0 s1  }
0x79: {  	[bflag:$0x3] =	sbarrier.arrive $0xFFFF  }
0x7a: {  	_ =	shalt  }

</sc_bundles>
